<compile_context>
chip_gen: v7x
topology: tpu7x:2x2x1
jax: 0.10.2.dev20260603
libtpu: 0.0.44.dev20260713+nightly
codegen_flags: <defaults>
</compile_context>

<pallas_src>
import jax
import jax.numpy as jnp
from jax.experimental import pallas as pl
from jax.experimental.pallas import tpu as pltpu
from jax.experimental.pallas import tpu_sc as plsc

_NC, _NS = 2, 16
_NW = _NC * _NS
_B, _P, _E = 64, 1024, 768
_PW = _P // _NW
_CH = _PW * _E


def _sc_body(x_hbm, pos_hbm, o_hbm, pos_v, xbuf):
    c = jax.lax.axis_index("c")
    s = jax.lax.axis_index("s")
    wid = s * _NC + c
    pltpu.sync_copy(pos_hbm.at[pl.ds(wid * _CH, _CH)], pos_v)

    def batch_body(b, carry):
        off = b * (_P * _E) + wid * _CH
        pltpu.sync_copy(x_hbm.at[pl.ds(off, _CH)], xbuf)

        def add_body(i, carry2):
            sl = pl.ds(i * 16, 16)
            xbuf[sl] = xbuf[sl] + pos_v[sl]
            return carry2

        jax.lax.fori_loop(0, _CH // 16, add_body, 0, unroll=8)
        pltpu.sync_copy(xbuf, o_hbm.at[pl.ds(off, _CH)])
        return carry

    jax.lax.fori_loop(0, _B, batch_body, 0)


def kernel(x, pos_table):
    B, P, E = x.shape
    call = pl.kernel(
        _sc_body,
        out_type=jax.ShapeDtypeStruct((B * P * E,), x.dtype),
        mesh=plsc.VectorSubcoreMesh(core_axis_name="c", subcore_axis_name="s"),
        scratch_types=[
            pltpu.VMEM((_CH,), jnp.float32),
            pltpu.VMEM((_CH,), jnp.float32),
        ],
    )
    out = call(x.reshape(-1), pos_table.reshape(-1))
    return out.reshape(B, P, E)

# --- scband reference (transcript-rebuilt; emitter-appended) ---
"""Pipeline reference for scband-positional-embedding-68289980006705 (READ-ONLY COPY).

The authoritative reference and input builder live on the scoring server;
editing this copy changes nothing except your own understanding.
"""

import jax, jax.numpy as jnp
import numpy as np

NUM_PATCHES = 1024
EMBED_DIM = 768
BATCH = 64

def setup_inputs(seed: int = 0) -> dict:
    key = jax.random.key(seed)
    k1, k2 = jax.random.split(key)
    x = jax.random.normal(k1, (BATCH, NUM_PATCHES, EMBED_DIM), dtype=jnp.float32)
    # learned positional embedding table, default keras Embedding init ~ uniform(-0.05, 0.05)
    pos_table = jax.random.uniform(k2, (NUM_PATCHES, EMBED_DIM), dtype=jnp.float32, minval=-0.05, maxval=0.05)
    return {"x": x, "pos_table": pos_table}

def reference(x, pos_table):
    batch_size = x.shape[0]
    positions = jnp.arange(NUM_PATCHES)
    positions = jnp.expand_dims(positions, 0)
    positions = jnp.broadcast_to(positions, (batch_size, NUM_PATCHES))
    pos_emb = jnp.take(pos_table, positions, axis=0)  # gather: [B, num_patches, embed_dim]
    return x + pos_emb

if __name__ == "__main__":
    import jax
    _d = setup_inputs()
    print(jax.jit(kernel)(*tuple(_d.values())))

</pallas_src>

<mosaic_0001>
#map = affine_map<(d0, d1) -> (0)>
module attributes {stable_mosaic.version = 14 : i64} {
  func.func @_sc_body(%arg0: i32, %arg1: i32, %arg2: memref<50331648xf32, #tpu.memory_space<hbm>>, %arg3: memref<786432xf32, #tpu.memory_space<hbm>>, %arg4: memref<50331648xf32, #tpu.memory_space<hbm>>, %arg5: memref<24576xf32, #tpu.memory_space<vmem>>, %arg6: memref<24576xf32, #tpu.memory_space<vmem>>) attributes {dimension_semantics = [#tpu.dimension_semantics<core_parallel>, #tpu.dimension_semantics<subcore_parallel>], iteration_bounds = array<i64: 2, 16>, scalar_prefetch = 0 : i64, scratch_operands = 2 : i64, tpu.core_type = #tpu.core_type<sc_vector_subcore>, window_params = [{transform_indices = #map}, {transform_indices = #map}, {transform_indices = #map}]} {
    %mul3A = arith.constant 2 : i32
    %mul3A_0 = arith.muli %arg1, %mul3A : i32
    %add3A = arith.addi %mul3A_0, %arg0 : i32
    %mul3A_1 = arith.constant 24576 : i32
    %mul3A_2 = arith.muli %add3A, %mul3A_1 : i32
    "tpu.region"() ({
      %run_scoped3A = tpu.sem_alloc : memref<!tpu.dma_semaphore, #tpu.memory_space<semaphore_mem>>
      %dma_start3A = tpu.memref_slice %arg3[%mul3A_2] : memref<786432xf32, #tpu.memory_space<hbm>> -> memref<24576xf32, #tpu.memory_space<hbm>>
      %dma_start3A_8 = tpu.memref_slice %arg3[%mul3A_2] : memref<786432xf32, #tpu.memory_space<hbm>> -> memref<24576xf32, #tpu.memory_space<hbm>>
      tpu.enqueue_dma source(%dma_start3A_8 : memref<24576xf32, #tpu.memory_space<hbm>>) target(%arg5 : memref<24576xf32, #tpu.memory_space<vmem>>) target_semaphore(%run_scoped3A : memref<!tpu.dma_semaphore, #tpu.memory_space<semaphore_mem>>)
      %dma_wait3A = tpu.memref_slice %arg3[%mul3A_2] : memref<786432xf32, #tpu.memory_space<hbm>> -> memref<24576xf32, #tpu.memory_space<hbm>>
      %dma_wait3A_9 = tpu.memref_slice %arg3[%mul3A_2] : memref<786432xf32, #tpu.memory_space<hbm>> -> memref<24576xf32, #tpu.memory_space<hbm>>
      tpu.wait_dma2 semaphore(%run_scoped3A : memref<!tpu.dma_semaphore, #tpu.memory_space<semaphore_mem>>) src(%dma_wait3A_9 : memref<24576xf32, #tpu.memory_space<hbm>>) dst(%arg5 : memref<24576xf32, #tpu.memory_space<vmem>>)
      tpu.yield
    }) : () -> ()
    %scan3A = arith.constant 0 : i32
    %scan3A_3 = arith.constant 0 : i32
    %scan3A_4 = arith.constant 64 : i32
    %scan3A_5 = arith.addi %scan3A_3, %scan3A_4 : i32
    %scan3A_6 = arith.constant 1 : i32
    scf.for %scan3A_8 = %scan3A_3 to %scan3A_5 step %scan3A_6  : i32 {
      %mul3A_9 = arith.constant 786432 : i32
      %mul3A_10 = arith.muli %scan3A_8, %mul3A_9 : i32
      %mul3A_11 = arith.constant 24576 : i32
      %mul3A_12 = arith.muli %add3A, %mul3A_11 : i32
      %add3A_13 = arith.addi %mul3A_10, %mul3A_12 : i32
      "tpu.region"() ({
        %run_scoped3A = tpu.sem_alloc : memref<!tpu.dma_semaphore, #tpu.memory_space<semaphore_mem>>
        %dma_start3A = tpu.memref_slice %arg2[%add3A_13] : memref<50331648xf32, #tpu.memory_space<hbm>> -> memref<24576xf32, #tpu.memory_space<hbm>>
        %dma_start3A_20 = tpu.memref_slice %arg2[%add3A_13] : memref<50331648xf32, #tpu.memory_space<hbm>> -> memref<24576xf32, #tpu.memory_space<hbm>>
        tpu.enqueue_dma source(%dma_start3A_20 : memref<24576xf32, #tpu.memory_space<hbm>>) target(%arg6 : memref<24576xf32, #tpu.memory_space<vmem>>) target_semaphore(%run_scoped3A : memref<!tpu.dma_semaphore, #tpu.memory_space<semaphore_mem>>)
        %dma_wait3A = tpu.memref_slice %arg2[%add3A_13] : memref<50331648xf32, #tpu.memory_space<hbm>> -> memref<24576xf32, #tpu.memory_space<hbm>>
        %dma_wait3A_21 = tpu.memref_slice %arg2[%add3A_13] : memref<50331648xf32, #tpu.memory_space<hbm>> -> memref<24576xf32, #tpu.memory_space<hbm>>
        tpu.wait_dma2 semaphore(%run_scoped3A : memref<!tpu.dma_semaphore, #tpu.memory_space<semaphore_mem>>) src(%dma_wait3A_21 : memref<24576xf32, #tpu.memory_space<hbm>>) dst(%arg6 : memref<24576xf32, #tpu.memory_space<vmem>>)
        tpu.yield
      }) : () -> ()
      %scan3A_14 = arith.constant 0 : i32
      %scan3A_15 = arith.constant 0 : i32
      %scan3A_16 = arith.constant 1536 : i32
      %scan3A_17 = arith.addi %scan3A_15, %scan3A_16 : i32
      %scan3A_18 = arith.constant 8 : i32
      scf.for %scan3A_20 = %scan3A_15 to %scan3A_17 step %scan3A_18  : i32 {
        %mul3A_21 = arith.constant 16 : i32
        %mul3A_22 = arith.muli %scan3A_20, %mul3A_21 : i32
        %get3A = arith.index_cast %mul3A_22 : i32 to index
        %get3A_23 = tpu.vector_load %arg6[%get3A] {strides = array<i32>} : memref<24576xf32, #tpu.memory_space<vmem>>, vector<16xf32>,
        %get3A_24 = vector.shape_cast %get3A_23 : vector<16xf32> to vector<16xf32>
        %get3A_25 = arith.index_cast %mul3A_22 : i32 to index
        %get3A_26 = tpu.vector_load %arg5[%get3A_25] {strides = array<i32>} : memref<24576xf32, #tpu.memory_space<vmem>>, vector<16xf32>,
        %get3A_27 = vector.shape_cast %get3A_26 : vector<16xf32> to vector<16xf32>
        %add3A_28 = arith.addf %get3A_24, %get3A_27 : vector<16xf32>
        %swap3A = arith.index_cast %mul3A_22 : i32 to index
        %swap3A_29 = tpu.vector_load %arg6[%swap3A] {strides = array<i32>} : memref<24576xf32, #tpu.memory_space<vmem>>, vector<16xf32>,
        %swap3A_30 = vector.shape_cast %swap3A_29 : vector<16xf32> to vector<16xf32>
        %swap3A_31 = vector.shape_cast %add3A_28 : vector<16xf32> to vector<16xf32>
        tpu.vector_store %arg6[%swap3A], %swap3A_31 {strides = array<i32>} : memref<24576xf32, #tpu.memory_space<vmem>>, vector<16xf32>,
        %scan3A_32 = arith.constant 1 : i32
        %scan3A_33 = arith.addi %scan3A_20, %scan3A_32 : i32
        %mul3A_34 = arith.constant 16 : i32
        %mul3A_35 = arith.muli %scan3A_33, %mul3A_34 : i32
        %get3A_36 = arith.index_cast %mul3A_35 : i32 to index
        %get3A_37 = tpu.vector_load %arg6[%get3A_36] {strides = array<i32>} : memref<24576xf32, #tpu.memory_space<vmem>>, vector<16xf32>,
        %get3A_38 = vector.shape_cast %get3A_37 : vector<16xf32> to vector<16xf32>
        %get3A_39 = arith.index_cast %mul3A_35 : i32 to index
        %get3A_40 = tpu.vector_load %arg5[%get3A_39] {strides = array<i32>} : memref<24576xf32, #tpu.memory_space<vmem>>, vector<16xf32>,
        %get3A_41 = vector.shape_cast %get3A_40 : vector<16xf32> to vector<16xf32>
        %add3A_42 = arith.addf %get3A_38, %get3A_41 : vector<16xf32>
        %swap3A_43 = arith.index_cast %mul3A_35 : i32 to index
        %swap3A_44 = tpu.vector_load %arg6[%swap3A_43] {strides = array<i32>} : memref<24576xf32, #tpu.memory_space<vmem>>, vector<16xf32>,
        %swap3A_45 = vector.shape_cast %swap3A_44 : vector<16xf32> to vector<16xf32>
        %swap3A_46 = vector.shape_cast %add3A_42 : vector<16xf32> to vector<16xf32>
        tpu.vector_store %arg6[%swap3A_43], %swap3A_46 {strides = array<i32>} : memref<24576xf32, #tpu.memory_space<vmem>>, vector<16xf32>,
        %scan3A_47 = arith.constant 2 : i32
        %scan3A_48 = arith.addi %scan3A_20, %scan3A_47 : i32
        %mul3A_49 = arith.constant 16 : i32
        %mul3A_50 = arith.muli %scan3A_48, %mul3A_49 : i32
        %get3A_51 = arith.index_cast %mul3A_50 : i32 to index
        %get3A_52 = tpu.vector_load %arg6[%get3A_51] {strides = array<i32>} : memref<24576xf32, #tpu.memory_space<vmem>>, vector<16xf32>,
        %get3A_53 = vector.shape_cast %get3A_52 : vector<16xf32> to vector<16xf32>
        %get3A_54 = arith.index_cast %mul3A_50 : i32 to index
        %get3A_55 = tpu.vector_load %arg5[%get3A_54] {strides = array<i32>} : memref<24576xf32, #tpu.memory_space<vmem>>, vector<16xf32>,
        %get3A_56 = vector.shape_cast %get3A_55 : vector<16xf32> to vector<16xf32>
        %add3A_57 = arith.addf %get3A_53, %get3A_56 : vector<16xf32>
        %swap3A_58 = arith.index_cast %mul3A_50 : i32 to index
        %swap3A_59 = tpu.vector_load %arg6[%swap3A_58] {strides = array<i32>} : memref<24576xf32, #tpu.memory_space<vmem>>, vector<16xf32>,
        %swap3A_60 = vector.shape_cast %swap3A_59 : vector<16xf32> to vector<16xf32>
        %swap3A_61 = vector.shape_cast %add3A_57 : vector<16xf32> to vector<16xf32>
        tpu.vector_store %arg6[%swap3A_58], %swap3A_61 {strides = array<i32>} : memref<24576xf32, #tpu.memory_space<vmem>>, vector<16xf32>,
        %scan3A_62 = arith.constant 3 : i32
        %scan3A_63 = arith.addi %scan3A_20, %scan3A_62 : i32
        %mul3A_64 = arith.constant 16 : i32
        %mul3A_65 = arith.muli %scan3A_63, %mul3A_64 : i32
        %get3A_66 = arith.index_cast %mul3A_65 : i32 to index
        %get3A_67 = tpu.vector_load %arg6[%get3A_66] {strides = array<i32>} : memref<24576xf32, #tpu.memory_space<vmem>>, vector<16xf32>,
        %get3A_68 = vector.shape_cast %get3A_67 : vector<16xf32> to vector<16xf32>
        %get3A_69 = arith.index_cast %mul3A_65 : i32 to index
        %get3A_70 = tpu.vector_load %arg5[%get3A_69] {strides = array<i32>} : memref<24576xf32, #tpu.memory_space<vmem>>, vector<16xf32>,
        %get3A_71 = vector.shape_cast %get3A_70 : vector<16xf32> to vector<16xf32>
        %add3A_72 = arith.addf %get3A_68, %get3A_71 : vector<16xf32>
        %swap3A_73 = arith.index_cast %mul3A_65 : i32 to index
        %swap3A_74 = tpu.vector_load %arg6[%swap3A_73] {strides = array<i32>} : memref<24576xf32, #tpu.memory_space<vmem>>, vector<16xf32>,
        %swap3A_75 = vector.shape_cast %swap3A_74 : vector<16xf32> to vector<16xf32>
        %swap3A_76 = vector.shape_cast %add3A_72 : vector<16xf32> to vector<16xf32>
        tpu.vector_store %arg6[%swap3A_73], %swap3A_76 {strides = array<i32>} : memref<24576xf32, #tpu.memory_space<vmem>>, vector<16xf32>,
        %scan3A_77 = arith.constant 4 : i32
        %scan3A_78 = arith.addi %scan3A_20, %scan3A_77 : i32
        %mul3A_79 = arith.constant 16 : i32
        %mul3A_80 = arith.muli %scan3A_78, %mul3A_79 : i32
        %get3A_81 = arith.index_cast %mul3A_80 : i32 to index
        %get3A_82 = tpu.vector_load %arg6[%get3A_81] {strides = array<i32>} : memref<24576xf32, #tpu.memory_space<vmem>>, vector<16xf32>,
        %get3A_83 = vector.shape_cast %get3A_82 : vector<16xf32> to vector<16xf32>
        %get3A_84 = arith.index_cast %mul3A_80 : i32 to index
        %get3A_85 = tpu.vector_load %arg5[%get3A_84] {strides = array<i32>} : memref<24576xf32, #tpu.memory_space<vmem>>, vector<16xf32>,
        %get3A_86 = vector.shape_cast %get3A_85 : vector<16xf32> to vector<16xf32>
        %add3A_87 = arith.addf %get3A_83, %get3A_86 : vector<16xf32>
        %swap3A_88 = arith.index_cast %mul3A_80 : i32 to index
        %swap3A_89 = tpu.vector_load %arg6[%swap3A_88] {strides = array<i32>} : memref<24576xf32, #tpu.memory_space<vmem>>, vector<16xf32>,
        %swap3A_90 = vector.shape_cast %swap3A_89 : vector<16xf32> to vector<16xf32>
        %swap3A_91 = vector.shape_cast %add3A_87 : vector<16xf32> to vector<16xf32>
        tpu.vector_store %arg6[%swap3A_88], %swap3A_91 {strides = array<i32>} : memref<24576xf32, #tpu.memory_space<vmem>>, vector<16xf32>,
        %scan3A_92 = arith.constant 5 : i32
        %scan3A_93 = arith.addi %scan3A_20, %scan3A_92 : i32
        %mul3A_94 = arith.constant 16 : i32
        %mul3A_95 = arith.muli %scan3A_93, %mul3A_94 : i32
        %get3A_96 = arith.index_cast %mul3A_95 : i32 to index
        %get3A_97 = tpu.vector_load %arg6[%get3A_96] {strides = array<i32>} : memref<24576xf32, #tpu.memory_space<vmem>>, vector<16xf32>,
        %get3A_98 = vector.shape_cast %get3A_97 : vector<16xf32> to vector<16xf32>
        %get3A_99 = arith.index_cast %mul3A_95 : i32 to index
        %get3A_100 = tpu.vector_load %arg5[%get3A_99] {strides = array<i32>} : memref<24576xf32, #tpu.memory_space<vmem>>, vector<16xf32>,
        %get3A_101 = vector.shape_cast %get3A_100 : vector<16xf32> to vector<16xf32>
        %add3A_102 = arith.addf %get3A_98, %get3A_101 : vector<16xf32>
        %swap3A_103 = arith.index_cast %mul3A_95 : i32 to index
        %swap3A_104 = tpu.vector_load %arg6[%swap3A_103] {strides = array<i32>} : memref<24576xf32, #tpu.memory_space<vmem>>, vector<16xf32>,
        %swap3A_105 = vector.shape_cast %swap3A_104 : vector<16xf32> to vector<16xf32>
        %swap3A_106 = vector.shape_cast %add3A_102 : vector<16xf32> to vector<16xf32>
        tpu.vector_store %arg6[%swap3A_103], %swap3A_106 {strides = array<i32>} : memref<24576xf32, #tpu.memory_space<vmem>>, vector<16xf32>,
        %scan3A_107 = arith.constant 6 : i32
        %scan3A_108 = arith.addi %scan3A_20, %scan3A_107 : i32
        %mul3A_109 = arith.constant 16 : i32
        %mul3A_110 = arith.muli %scan3A_108, %mul3A_109 : i32
        %get3A_111 = arith.index_cast %mul3A_110 : i32 to index
        %get3A_112 = tpu.vector_load %arg6[%get3A_111] {strides = array<i32>} : memref<24576xf32, #tpu.memory_space<vmem>>, vector<16xf32>,
        %get3A_113 = vector.shape_cast %get3A_112 : vector<16xf32> to vector<16xf32>
        %get3A_114 = arith.index_cast %mul3A_110 : i32 to index
        %get3A_115 = tpu.vector_load %arg5[%get3A_114] {strides = array<i32>} : memref<24576xf32, #tpu.memory_space<vmem>>, vector<16xf32>,
        %get3A_116 = vector.shape_cast %get3A_115 : vector<16xf32> to vector<16xf32>
        %add3A_117 = arith.addf %get3A_113, %get3A_116 : vector<16xf32>
        %swap3A_118 = arith.index_cast %mul3A_110 : i32 to index
        %swap3A_119 = tpu.vector_load %arg6[%swap3A_118] {strides = array<i32>} : memref<24576xf32, #tpu.memory_space<vmem>>, vector<16xf32>,
        %swap3A_120 = vector.shape_cast %swap3A_119 : vector<16xf32> to vector<16xf32>
        %swap3A_121 = vector.shape_cast %add3A_117 : vector<16xf32> to vector<16xf32>
        tpu.vector_store %arg6[%swap3A_118], %swap3A_121 {strides = array<i32>} : memref<24576xf32, #tpu.memory_space<vmem>>, vector<16xf32>,
        %scan3A_122 = arith.constant 7 : i32
        %scan3A_123 = arith.addi %scan3A_20, %scan3A_122 : i32
        %mul3A_124 = arith.constant 16 : i32
        %mul3A_125 = arith.muli %scan3A_123, %mul3A_124 : i32
        %get3A_126 = arith.index_cast %mul3A_125 : i32 to index
        %get3A_127 = tpu.vector_load %arg6[%get3A_126] {strides = array<i32>} : memref<24576xf32, #tpu.memory_space<vmem>>, vector<16xf32>,
        %get3A_128 = vector.shape_cast %get3A_127 : vector<16xf32> to vector<16xf32>
        %get3A_129 = arith.index_cast %mul3A_125 : i32 to index
        %get3A_130 = tpu.vector_load %arg5[%get3A_129] {strides = array<i32>} : memref<24576xf32, #tpu.memory_space<vmem>>, vector<16xf32>,
        %get3A_131 = vector.shape_cast %get3A_130 : vector<16xf32> to vector<16xf32>
        %add3A_132 = arith.addf %get3A_128, %get3A_131 : vector<16xf32>
        %swap3A_133 = arith.index_cast %mul3A_125 : i32 to index
        %swap3A_134 = tpu.vector_load %arg6[%swap3A_133] {strides = array<i32>} : memref<24576xf32, #tpu.memory_space<vmem>>, vector<16xf32>,
        %swap3A_135 = vector.shape_cast %swap3A_134 : vector<16xf32> to vector<16xf32>
        %swap3A_136 = vector.shape_cast %add3A_132 : vector<16xf32> to vector<16xf32>
        tpu.vector_store %arg6[%swap3A_133], %swap3A_136 {strides = array<i32>} : memref<24576xf32, #tpu.memory_space<vmem>>, vector<16xf32>,
      }
      %scan3A_19 = arith.constant 1536 : i32
      "tpu.region"() ({
        %run_scoped3A = tpu.sem_alloc : memref<!tpu.dma_semaphore, #tpu.memory_space<semaphore_mem>>
        %dma_start3A = tpu.memref_slice %arg4[%add3A_13] : memref<50331648xf32, #tpu.memory_space<hbm>> -> memref<24576xf32, #tpu.memory_space<hbm>>
        %dma_start3A_20 = tpu.memref_slice %arg4[%add3A_13] : memref<50331648xf32, #tpu.memory_space<hbm>> -> memref<24576xf32, #tpu.memory_space<hbm>>
        tpu.enqueue_dma source(%arg6 : memref<24576xf32, #tpu.memory_space<vmem>>) target(%dma_start3A_20 : memref<24576xf32, #tpu.memory_space<hbm>>) target_semaphore(%run_scoped3A : memref<!tpu.dma_semaphore, #tpu.memory_space<semaphore_mem>>)
        %dma_wait3A = tpu.memref_slice %arg4[%add3A_13] : memref<50331648xf32, #tpu.memory_space<hbm>> -> memref<24576xf32, #tpu.memory_space<hbm>>
        %dma_wait3A_21 = tpu.memref_slice %arg4[%add3A_13] : memref<50331648xf32, #tpu.memory_space<hbm>> -> memref<24576xf32, #tpu.memory_space<hbm>>
        tpu.wait_dma2 semaphore(%run_scoped3A : memref<!tpu.dma_semaphore, #tpu.memory_space<semaphore_mem>>) src(%arg6 : memref<24576xf32, #tpu.memory_space<vmem>>) dst(%dma_wait3A_21 : memref<24576xf32, #tpu.memory_space<hbm>>)
        tpu.yield
      }) : () -> ()
    }
    %scan3A_7 = arith.constant 64 : i32
    return
  }
}

</mosaic_0001>

<sc_bundles>
// kernel: kernel.3.cloned.1.call-start
scs
__scs_entry_jumppad:
0x0: {  	(pc) =	sbr.rel $0x88, $3  }
0x1: {  	(tag) =	ssettag $0x0;
	lr =	simm.s32 $0x1  }
0x2: {  	[smem:$0x3F9F] =	sst lr;
	_ =	strace $0xD0000000  }
0x3: {  	_ = 	snop  }
0x4: {  	_ = 	snop  }
0x5: {  	_ = 	snop  }
0x6: {  	_ = 	snop  }
0x7: {  	_ = 	snop  }
__scs_overlays_trampoline_lowered:
0x8: {  	[smem:$0x3FAE] =	sst s0  }
0x9: {  	[smem:$0x3FAF] =	sst s1  }
0xa: {  	[smem:$0x3FB0] =	sst s2  }
0xb: {  	[smem:$0x3FB1] =	sst s3  }
0xc: {  	[smem:$0x3FB2] =	sst s4  }
0xd: {  	[smem:$0x3FB3] =	sst s5  }
0xe: {  	[smem:$0x3FB4] =	sst s6  }
0xf: {  	[smem:$0x3FB5] =	sst s7  }
0x10: {  	[smem:$0x3FB6] =	sst s8  }
0x11: {  	[smem:$0x3FB7] =	sst s9;
	s0 =	simm.s32 @!p0 $0x0  }
0x12: {  	s1 =	sld [smem:$0x3F9D];
	s0 =	simm.s32 @p0 $0x1  }
0x13: {  	[smem:$0x3FB8] =	sst s0;
	s0 =	simm.s32 @!p1 $0x0  }
0x14: {  	s2 =	sld [smem:$0x3F9C];
	s0 =	simm.s32 @p1 $0x1  }
0x15: {  	[smem:$0x3FB9] =	sst s0;
	s0 =	simm.s32 @!p2 $0x0  }
0x16: {  	s3 =	sld [smem:$0x3FDB];
	s0 =	simm.s32 @p2 $0x1  }
0x17: {  	s4 =	simm.s32 $0x1BF5;
	[smem:$0x3FBB] =	sst s0  }
0x18: {  	s0 =	sld [smem:$0x3F9E];
	_ =	swait.ge [sflag:s4], $0x0  }
0x19: {  	s7 =	sld [smem:$0x3F9F]  }
0x1a: {  	s8 =	sadd.s32 $0xFFFFE003, lr  }
0x1b: {  	s9 =	sadd.s32 $0xFFFFFEF7, lr;
	s5 =	simm.s32 $0xFFFFFFFF;
	p2 =	slt.u32 s8, $0xFFFFF086  }
0x1c: {  	p1 =	slt.u32 s9, $0xF7A;
	s5 =	simm.s32 @!p2 $0x0  }
0x1d: {  	s5 =	simm.s32 @p1 $0x1;
	p0 =	seq.s32 s7, s2  }
0x1e: {  	s7 =	smul.u32 @!p0 $0xF7A, s2;
	p2 =	seq.s32 @!p0 s5, $0x0  }
0x1f: {  	s9 =	smul.u32 $0xF7A, s1;
	s8 =	simm.s32 @!p0 $0x1BF5;
	p2 =	por !p2, p0  }
0x20: {  	[sflag:s8] =	ssyncset.s32 @!p0 $0xFFFFF086;
	s6 =	sadd.s32 @!p0 s3, s7;
	s7 =	simm.s32 @!p0 $0x108  }
0x21: {  	s3 =	sadd.s32 s3, s9;
	s6 =	sadd.s32 @!p0 $0x88, s6;
	s7 =	simm.s32 @p2 $0x1082  }
0x22: {  	[simem:s7], [sflag:s8] =	dma.local @!p0 [hbm:s6], $0xF7A  }
0x23: {  	s9 =	sor.u32 $0xD0000000, s2;
	s6 =	simm.s32 $0x108;
	_ =	swait.ge @!p0 [sflag:s8], $0x0  }
0x24: {  	s3 =	sadd.s32 $0x88, s3;
	s6 =	simm.s32 @!p1 $0x1082;
	[sflag:s4] =	ssyncset.s32 $0xFFFFF086  }
0x25: {  	[simem:s6], [sflag:s4] =	dma.local [hbm:s3], $0xF7A  }
0x26: {  	[smem:$0x3F9F] =	sst s1;
	(tag) =	ssettag s2;
	_ =	strace s9  }
0x27: {  	s1 =	sld [smem:$0x3FAF]  }
0x28: {  	s2 =	sld [smem:$0x3FB0]  }
0x29: {  	s4 =	sld [smem:$0x3FB2]  }
0x2a: {  	p0 =	seq.s32 s5, $0x0;
	s5 =	sld [smem:$0x3FB3]  }
0x2b: {  	s6 =	sld [smem:$0x3FB4]  }
0x2c: {  	s7 =	sld [smem:$0x3FB5]  }
0x2d: {  	s3 =	simm.s32 $0x108;
	s8 =	sld [smem:$0x3FB6]  }
0x2e: {  	s3 =	simm.s32 @!p0 $0x1082;
	s9 =	sld [smem:$0x3FB7]  }
0x2f: {  	lr =	sadd.s32 s0, s3;
	s0 =	sld [smem:$0x3FAE]  }
0x30: {  	s3 =	sld [smem:$0x3FB1]  }
0x31: {  	[smem:$0x3FBA] =	sst s10  }
0x32: {  	s10 =	sld [smem:$0x3FB8];
	_ =	sdelay $0x3  }
0x33: {  	p0 =	seq.s32 s10, $0x1;
	s10 =	sld [smem:$0x3FBA];
	_ =	sdelay $0x3  }
0x34: {  	[smem:$0x3FBA] =	sst s10  }
0x35: {  	s10 =	sld [smem:$0x3FB9];
	_ =	sdelay $0x3  }
0x36: {  	p1 =	seq.s32 s10, $0x1;
	s10 =	sld [smem:$0x3FBA];
	_ =	sdelay $0x3  }
0x37: {  	[smem:$0x3FBA] =	sst s10  }
0x38: {  	s10 =	sld [smem:$0x3FBB]  }
0x39: {  	_ = 	snop;
	(pc) =	sbr.ind lr, $3  }
0x3a: {  	_ = 	snop  }
0x3b: {  	_ = 	snop  }
0x3c: {  	p2 =	seq.s32 s10, $0x1;
	s10 =	sld [smem:$0x3FBA]  }
0x3d: {  	_ =	shalt  }
0x3e: {  	_ =	shalt  }
0x3f: {  	_ =	shalt  }
0x40: {  	_ =	shalt  }
0x41: {  	_ =	shalt  }
0x42: {  	_ =	shalt  }
0x43: {  	_ =	shalt  }
0x44: {  	_ =	shalt  }
0x45: {  	_ =	shalt  }
0x46: {  	_ =	shalt  }
0x47: {  	_ =	shalt  }
0x48: {  	_ =	shalt  }
0x49: {  	_ =	shalt  }
0x4a: {  	_ =	shalt  }
0x4b: {  	_ =	shalt  }
0x4c: {  	_ =	shalt  }
0x4d: {  	_ =	shalt  }
0x4e: {  	_ =	shalt  }
0x4f: {  	_ =	shalt  }
0x50: {  	_ =	shalt  }
0x51: {  	_ =	shalt  }
0x52: {  	_ =	shalt  }
0x53: {  	_ =	shalt  }
0x54: {  	_ =	shalt  }
0x55: {  	_ =	shalt  }
0x56: {  	_ =	shalt  }
0x57: {  	_ =	shalt  }
0x58: {  	_ =	shalt  }
0x59: {  	_ =	shalt  }
0x5a: {  	_ =	shalt  }
0x5b: {  	_ =	shalt  }
0x5c: {  	_ =	shalt  }
0x5d: {  	_ =	shalt  }
0x5e: {  	_ =	shalt  }
0x5f: {  	_ =	shalt  }
0x60: {  	_ =	shalt  }
0x61: {  	_ =	shalt  }
0x62: {  	_ =	shalt  }
0x63: {  	_ =	shalt  }
0x64: {  	_ =	shalt  }
0x65: {  	_ =	shalt  }
0x66: {  	_ =	shalt  }
0x67: {  	_ =	shalt  }
0x68: {  	_ =	shalt  }
0x69: {  	_ =	shalt  }
0x6a: {  	_ =	shalt  }
0x6b: {  	_ =	shalt  }
0x6c: {  	_ =	shalt  }
0x6d: {  	_ =	shalt  }
0x6e: {  	_ =	shalt  }
0x6f: {  	_ =	shalt  }
0x70: {  	_ =	shalt  }
0x71: {  	_ =	shalt  }
0x72: {  	_ =	shalt  }
0x73: {  	_ =	shalt  }
0x74: {  	_ =	shalt  }
0x75: {  	_ =	shalt  }
0x76: {  	_ =	shalt  }
0x77: {  	_ =	shalt  }
0x78: {  	_ =	shalt  }
0x79: {  	_ =	shalt  }
0x7a: {  	_ =	shalt  }
0x7b: {  	_ =	shalt  }
0x7c: {  	_ =	shalt  }
0x7d: {  	_ =	shalt  }
0x7e: {  	_ =	shalt  }
0x7f: {  	_ =	shalt  }
0x80: {  	_ =	shalt  }
0x81: {  	_ =	shalt  }
0x82: {  	_ =	shalt  }
0x83: {  	_ =	shalt  }
0x84: {  	_ =	shalt  }
0x85: {  	_ =	shalt  }
0x86: {  	_ =	shalt  }
0x87: {  	_ =	shalt  }
.Lfunc_end0:
.L_simem_size_0:
called_computation_lowered:
.L_overlay_start_0:
0x88: {  	s2 =	sld [smem:$0x3FD9]  }
0x89: {  	s3 =	sld [smem:$0x3FFE];
	_ =	sdelay $0x1  }
0x8a: {  	s1 =	srdreg.scid  }
0x8b: {  	s0 =	sand.u32 $0x1, s1  }
0x8c: {  	s17 =	sshll.u32 s0, $0xA;
	s2 =	sadd.s32 s3, s2  }
0x8d: {  	s2 =	sadd.s32 s2, s17  }
0x8e: {  	[smem:$0x3FC6] =	sst s2  }
0x8f: {  	_ = 	snop  }
0x90: {  	s2 =	sld [smem:$0x3FD0];
	(tm) =	ssettm $0x1  }
0x91: {  	s18 =	sld [smem:$0x3FFB];
	_ =	sdelay $0x3  }
0x92: {  	_ =	strace s18  }
0x93: {  	s3 =	sld [smem:$0x3FFC];
	_ =	sdelay $0x3  }
0x94: {  	_ =	strace s3  }
0x95: {  	s3 =	sld [smem:$0x3FFD];
	_ =	sdelay $0x3  }
0x96: {  	_ =	strace s3  }
0x97: {  	_ =	strace $0x8FFFFFFF  }
0x98: {  	s19 =	sld [smem:$0x3FDB];
	_ =	sdelay $0x1  }
0x99: {  	s4 =	simm.s32 $_scs_section_size  }
0x9a: {  	s5 =	simm.s32 $_size__tile_overlayer_lowered;
	s6 =	simm.s32 $_tile_overlayer_lowered  }
0x9b: {  	s22 =	simm.s32 $0x1BFF;
	s21 =	sshll.u32 s6, $0x1;
	s3 =	sadd.s32 s4, s19  }
0x9c: {  	s7 =	simm.s32 $0x0;
	s20 =	sshll.u32 s5, $0x1;
	s5 =	sadd.s32 s21, s3  }
0x9d: {  	[timem:s7], [sflag:s22] =	dma.local [hbm:s5], s20  }
0x9e: {  	_ =	swait.ge [sflag:s22], s20  }
0x9f: {  	s4 =	ssub.s32 $0x0, s20;
	[sflag:s22] =	ssyncset.done $0x0  }
0xa0: {  	[sflag:s22] =	ssyncadd.s32 s4;
	_ =	sdelay $0x1  }
0xa1: {  	s23 =	simm.s32 $0x1B8B  }
0xa2: {  	_ =	swait.ge [sflag:s23], $0x1  }
0xa3: {  	[sflag:s23] =	ssyncset.done $0x0  }
0xa4: {  	s25 =	simm.s32 $0x1B8E;
	s24 =	sld [smem:$0x3FFE];
	[sflag:s23] =	ssyncadd.s32 $0xFFFFFFFF  }
0xa5: {  	s26 =	simm.s32 $execute0_lowered;
	[smem:$0x3FD2] =	sst s25  }
0xa6: {  	s5 =	sshll.u32 s26, $0x1;
	_ =	strace $0x80000046;
	[dreg:$0x1] =	wrdreg $0xFFFFFFFF  }
0xa7: {  	s28 =	simm.s32 $_size_execute0_lowered;
	s3 =	sadd.s32 s3, s5;
	[dreg:$0x0] =	wrdreg $0x0  }
0xa8: {  	s5 =	sshll.u32 s28, $0x1;
	[dreg:$0x2] =	wrdreg s3  }
0xa9: {  	[dreg:$0x3] =	wrdreg s5  }
0xaa: {  	[dreg:$0x4] =	wrdreg $0xC0  }
0xab: {  	_ =	task [dreg:s7], $0x5FFFF  }
0xac: {  	[dreg:$0x1] =	wrdreg $0xFFFFFFFF  }
0xad: {  	[dreg:$0x0] =	wrdreg $0x60  }
0xae: {  	[dreg:$0x2] =	wrdreg s2  }
0xaf: {  	[dreg:$0x3] =	wrdreg s24  }
0xb0: {  	[dreg:$0x4] =	wrdreg $0x9  }
0xb1: {  	_ =	task.clear_ibuf [dreg:s7], $0x5FFFF;
	_ =	strace $0x90000046  }
0xb2: {  	s29 =	simm.s32 $0x9;
	_ =	strace $0x80000048  }
0xb3: {  	_ =	swait.ge [sflag:s29], $0x1  }
0xb4: {  	[sflag:s29] =	ssyncadd.s32 $0xFFFFFFFF  }
0xb5: {  	_ =	strace $0x90000048  }
0xb6: {  	_ =	sfence  }
0xb7: {  	s30 =	sld [smem:$0x0];
	_ =	sdelay $0x2  }
0xb8: {  	s31 =	sshll.u32 s1, $0xD;
	s1 =	sshrl.u32 s1, $0x2  }
0xb9: {  	s3 =	sand.u32 $0x4000, s31;
	s1 =	sadd.s32 s1, s30  }
0xba: {  	s0 =	sor.u32 s3, s0;
	s1 =	sshll.u32 s1, $0x11  }
0xbb: {  	s0 =	sor.u32 s1, s0  }
0xbc: {  	s0 =	sadd.s32 $0x8F2B, s0  }
0xbd: {  	[sflag:s0] =	ssyncadd.remote.s32 $0x1  }
0xbe: {  	_ =	sfence.sel $0xFFFF  }
0xbf: {  	[dreg:$0x0] =	wrdreg $0xFFFFFFFF;
	(pc) =	sbr.abs _section_cstart, $3  }
0xc0: {  	[dreg:$0x1] =	wrdreg $0xFFFFFFFF  }
0xc1: {  	_ =	task.clear_ibuf [dreg:s7], $0x2FFFF;
	_ =	strace $0x9FFFFFFF  }
0xc2: {  	(tm) =	ssettm $0x7FFFFFFF  }
0xc3: {  	_ =	shalt  }
tec
execute0_lowered:
.L_overlay_start_1:
0x0: {  	(tag) =	ssettag $0x1  }
0x1: {  	s1 =	srdreg.scid;
	s0 =	stileid.u32  }
0x2: {  	s2 =	rddreg [dreg:$0x0];
	s5 =	sand.u32 $0x1, s1;
	s31 =	sshll.u32 s0, $0x1  }
0x3: {  	s6 =	rddreg [dreg:$0x1];
	s4 =	simm.s32 $0x0;
	s1 =	sor.u32 s5, s31  }
0x4: {  	s9 =	simm.s32 $0x6000;
	[smem:$0x7FF] =	sst s4;
	s3 =	smul.u32 $0x6000, s1  }
0x5: {  	s10 =	simm.s32 $0x0;
	s5 =	ssub.s32 $0x2, s5;
	s1 =	rddreg [dreg:$0x2]  }
0x6: {  	s8 =	sshrl.u32 s5, $0x1;
	_ =	strace $0x80000047;
	s7 =	sshrl.u32 s3, $0x3  }
0x7: {  	s8 =	ssub.s32 s5, s8;
	s5 =	sadd.s32 $0x18400, s6;
	s7 =	sadd.s32 s7, s6  }
0x8: {  	s6 =	sadd.s32 $0x400, s7;
	s7 =	smax.u32 s8, $0x1;
	s8 =	simm.s32 $0x1  }
.LBB2_1:
0x9: {  	[tilespmem:s4], [sflag:$0x1] =	stream.linear.gather [hbm4b:s6+s4], $0x6000, $0x38;
	[tilespmem:$0xC000] =	vst v63  }
0xa: {  	_ =	swait.ge [sflag:s8], $0x6000  }
0xb: {  	[sflag:s8] =	ssyncset.done $0x0  }
0xc: {  	s11 =	simm.s32 $0x0;
	[sflag:s8] =	ssyncadd.s32 $0xFFFFA000  }
.LBB2_2:
0xd: {  	s12 =	smul.u32 $0xC0000, s11;
	_ =	sdelay $0x1  }
0xe: {  	s12 =	sadd.s32 s3, s12  }
0xf: {  	s12 =	sshrl.u32 s12, $0x3  }
0x10: {  	s13 =	sadd.s32 s2, s12  }
0x11: {  	[tilespmem:s9], [sflag:$0x1] =	stream.linear.gather [hbm4b:s13+s4], $0x6000, $0x38;
	[tilespmem:$0xC000] =	vst v63  }
0x12: {  	_ =	swait.ge [sflag:s8], $0x6000  }
0x13: {  	[sflag:s8] =	ssyncset.done $0x0  }
0x14: {  	s13 =	simm.s32 $0x6040;
	[sflag:s8] =	ssyncadd.s32 $0xFFFFA000  }
0x15: {  	s14 =	simm.s32 $0x40;
	v0 =	vld [tilespmem:s13+$0xFFFFFFC0]  }
0x16: {  	v1 =	vld [tilespmem:s14+$0xFFFFFFC0];
	_ =	sdelay $0x4  }
0x17: {  	v0 =	vadd.f32 v1, v0;
	_ =	sdelay $0x1  }
0x18: {  	[tilespmem:s13+$0xFFFFFFC0] =	vst v0;
	v0 =	vld [tilespmem:s13+$0xFFFFFFD0]  }
0x19: {  	v1 =	vld [tilespmem:s14+$0xFFFFFFD0];
	_ =	sdelay $0x4  }
0x1a: {  	v0 =	vadd.f32 v1, v0;
	_ =	sdelay $0x1  }
0x1b: {  	[tilespmem:s13+$0xFFFFFFD0] =	vst v0;
	v0 =	vld [tilespmem:s13+$0xFFFFFFE0]  }
0x1c: {  	v1 =	vld [tilespmem:s14+$0xFFFFFFE0];
	_ =	sdelay $0x4  }
0x1d: {  	v0 =	vadd.f32 v1, v0;
	_ =	sdelay $0x1  }
0x1e: {  	[tilespmem:s13+$0xFFFFFFE0] =	vst v0;
	v0 =	vld [tilespmem:s13+$0xFFFFFFF0]  }
0x1f: {  	v1 =	vld [tilespmem:s14+$0xFFFFFFF0];
	_ =	sdelay $0x4  }
0x20: {  	v0 =	vadd.f32 v1, v0;
	_ =	sdelay $0x1  }
0x21: {  	[tilespmem:s13+$0xFFFFFFF0] =	vst v0;
	v0 =	vld [tilespmem:s13+$0x0]  }
0x22: {  	v1 =	vld [tilespmem:s14+$0x0];
	_ =	sdelay $0x4  }
0x23: {  	v0 =	vadd.f32 v1, v0;
	_ =	sdelay $0x1  }
0x24: {  	[tilespmem:s13+$0x0] =	vst v0;
	v0 =	vld [tilespmem:s13+$0x10]  }
0x25: {  	v1 =	vld [tilespmem:s14+$0x10];
	_ =	sdelay $0x4  }
0x26: {  	v0 =	vadd.f32 v1, v0;
	_ =	sdelay $0x1  }
0x27: {  	[tilespmem:s13+$0x10] =	vst v0;
	v0 =	vld [tilespmem:s13+$0x20]  }
0x28: {  	v1 =	vld [tilespmem:s14+$0x20];
	_ =	sdelay $0x4  }
0x29: {  	v0 =	vadd.f32 v1, v0;
	_ =	sdelay $0x1  }
0x2a: {  	[tilespmem:s13+$0x20] =	vst v0;
	v0 =	vld [tilespmem:s13+$0x30]  }
0x2b: {  	v1 =	vld [tilespmem:s14+$0x30];
	_ =	sdelay $0x4  }
0x2c: {  	v0 =	vadd.f32 v1, v0  }
0x2d: {  	s15 =	simm.s32 $0x0;
	s16 =	simm.s32 $0x60C0  }
.LBB2_3:
0x2e: {  	v1 =	vld [tilespmem:s16+$0xFFFFFFC0];
	[tilespmem:s13+$0x30] =	vst v0;
	s14 =	sadd.s32 $0x80, s14;
	s13 =	smov.u32 s16  }
0x2f: {  	s15 =	sadd.s32 $0x8, s15;
	v0 =	vld [tilespmem:s14+$0xFFFFFFC0]  }
0x30: {  	p0 =	slt.u32 s15, $0x5F8;
	_ =	sdelay $0x3  }
0x31: {  	v0 =	vadd.f32 v0, v1;
	_ =	sdelay $0x1  }
0x32: {  	[tilespmem:s16+$0xFFFFFFC0] =	vst v0;
	v0 =	vld [tilespmem:s16+$0xFFFFFFD0]  }
0x33: {  	v1 =	vld [tilespmem:s14+$0xFFFFFFD0];
	_ =	sdelay $0x4  }
0x34: {  	v0 =	vadd.f32 v1, v0;
	_ =	sdelay $0x1  }
0x35: {  	[tilespmem:s16+$0xFFFFFFD0] =	vst v0;
	v0 =	vld [tilespmem:s16+$0xFFFFFFE0]  }
0x36: {  	v1 =	vld [tilespmem:s14+$0xFFFFFFE0];
	_ =	sdelay $0x4  }
0x37: {  	v0 =	vadd.f32 v1, v0;
	_ =	sdelay $0x1  }
0x38: {  	[tilespmem:s16+$0xFFFFFFE0] =	vst v0;
	v0 =	vld [tilespmem:s16+$0xFFFFFFF0]  }
0x39: {  	v1 =	vld [tilespmem:s14+$0xFFFFFFF0];
	_ =	sdelay $0x4  }
0x3a: {  	v0 =	vadd.f32 v1, v0;
	_ =	sdelay $0x1  }
0x3b: {  	[tilespmem:s16+$0xFFFFFFF0] =	vst v0;
	v0 =	vld [tilespmem:s16+$0x0]  }
0x3c: {  	v1 =	vld [tilespmem:s14+$0x0];
	_ =	sdelay $0x4  }
0x3d: {  	v0 =	vadd.f32 v1, v0;
	_ =	sdelay $0x1  }
0x3e: {  	[tilespmem:s16+$0x0] =	vst v0;
	v0 =	vld [tilespmem:s16+$0x10]  }
0x3f: {  	v1 =	vld [tilespmem:s14+$0x10];
	_ =	sdelay $0x4  }
0x40: {  	v0 =	vadd.f32 v1, v0;
	_ =	sdelay $0x1  }
0x41: {  	[tilespmem:s16+$0x10] =	vst v0;
	v0 =	vld [tilespmem:s16+$0x20]  }
0x42: {  	v1 =	vld [tilespmem:s14+$0x20];
	_ =	sdelay $0x4  }
0x43: {  	v0 =	vadd.f32 v1, v0;
	_ =	sdelay $0x1  }
0x44: {  	[tilespmem:s16+$0x20] =	vst v0;
	v0 =	vld [tilespmem:s16+$0x30]  }
0x45: {  	v1 =	vld [tilespmem:s14+$0x30];
	_ =	sdelay $0x1  }
.Ltmp0:
0x46: {  	(pc) =	sbr.rel @p0 .LBB2_3-.Ltmp0, $3  }
0x47: {  	_ =	sdelay $0x1  }
0x48: {  	v0 =	vadd.f32 v1, v0  }
0x49: {  	s16 =	sadd.s32 $0x80, s16  }
0x4a: {  	s11 =	sadd.s32 $0x1, s11  }
0x4b: {  	p0 =	sne.s32 s11, $0x40  }
.Ltmp1:
0x4c: {  	[tilespmem:s13+$0x30] =	vst v0;
	s12 =	sadd.s32 s5, s12;
	(pc) =	sbr.rel @p0 .LBB2_2-.Ltmp1, $4  }
0x4d: {  	[hbm4b:s12+s4] =	stream.linear.scatter [tilespmem:s9], [sflag:$0x1], $0x6000, $0x38;
	[tilespmem:$0xC000] =	vst v63  }
0x4e: {  	_ =	swait.ge [sflag:s8], $0x6000  }
0x4f: {  	[sflag:s8] =	ssyncset.done $0x0  }
0x50: {  	[sflag:s8] =	ssyncadd.s32 $0xFFFFA000  }
0x51: {  	s10 =	sadd.s32 $0x1, s10  }
0x52: {  	p0 =	sne.s32 s10, s7  }
.Ltmp2:
0x53: {  	_ = 	snop;
	(pc) =	sbr.rel @p0 .LBB2_1-.Ltmp2, $1  }
0x54: {  	_ =	sdelay $0x3  }
0x55: {  	_ =	sfence.sel $0x180000  }
0x56: {  	[bflag:$0x0] =	sbarrier.arrive $0xFFFF  }
0x57: {  	p0 =	sne.s32 s0, $0x0;
	_ =	strace $0x90000047  }
0x58: {  	s0 =	sadd.s32 @!p0 $0x100000, s1;
	[bflag:$0x2] =	sbarrier.arrive $0xFFFF  }
0x59: {  	[sflag:s0] =	ssyncadd.tile.s32 @!p0 $0x1;
	_ =	shalt  }
.Lfunc_end2:
_tile_overlayer_lowered:
.L_overlay_start_2:
0x5a: {  	(tag) =	ssettag $0x2  }
0x5b: {  	s0 =	rddreg [dreg:$0x0];
	s2 =	stileid.u32  }
0x5c: {  	s1 =	rddreg [dreg:$0x1];
	p0 =	sne.s32 s2, $0x0  }
0x5d: {  	s3 =	rddreg [dreg:$0x2];
	[bflag:$0x3] =	sbarrier.arrive $0xFFFF;
	s2 =	simm.s32 @!p0 $0x1C01  }
0x5e: {  	[timem:s3], [sflag:s2] =	dma.local @!p0 [hbm:s0], s1  }
0x5f: {  	s0 =	simm.s32 @!p0 $0x1  }
0x60: {  	_ =	swait.ge @!p0 [sflag:s0], s1  }
0x61: {  	s1 =	ssub.s32 @!p0 $0x0, s1;
	[sflag:s0] =	ssyncset.done @!p0 $0x0  }
0x62: {  	[sflag:s0] =	ssyncadd.s32 @!p0 s1  }
0x63: {  	[bflag:$0x3] =	sbarrier.arrive $0xFFFF  }
0x64: {  	_ =	shalt  }

</sc_bundles>
